<compile_context>
chip_gen: v7x
topology: tpu7x:2x2x1
jax: 0.10.2.dev20260603
libtpu: 0.0.44.dev20260713+nightly
codegen_flags: <defaults>
</compile_context>

<pallas_src>
import functools

import jax
import jax.numpy as jnp
from jax import lax
from jax.experimental import pallas as pl
from jax.experimental.pallas import tpu as pltpu
from jax.experimental.pallas import tpu_sc as plsc

_INFO = plsc.get_sparse_core_info()
_NC = _INFO.num_cores
_NS = _INFO.num_subcores
_NW = _NC * _NS
_L = _INFO.num_lanes


def _body(b_per_w, d,
          wu_hbm, wi_hbm, wc_hbm, iu_hbm, ii_hbm, ic_hbm, out_hbm,
          iu_v, ii_v, ic_v, u_v, i_v, c_v,
          sem_u, sem_i, sem_c):
    wid = lax.axis_index("s") * _NC + lax.axis_index("c")
    base = wid * b_per_w

    pltpu.sync_copy(iu_hbm.at[pl.ds(base, b_per_w)], iu_v)
    pltpu.sync_copy(ii_hbm.at[pl.ds(base, b_per_w)], ii_v)
    pltpu.sync_copy(ic_hbm.at[pl.ds(base, b_per_w)], ic_v)

    cp_u = pltpu.async_copy(wu_hbm.at[iu_v], u_v, sem_u)
    cp_i = pltpu.async_copy(wi_hbm.at[ii_v], i_v, sem_i)
    cp_c = pltpu.async_copy(wc_hbm.at[ic_v], c_v, sem_c)
    cp_u.wait()
    cp_i.wait()
    cp_c.wait()

    nchunks = d // _L

    def row(r, carry):
        for ch in range(nchunks):
            sl = pl.ds(ch * _L, _L)
            u_v[r, sl] = (u_v[r, sl] + i_v[r, sl]) * c_v[r, sl]
        return carry

    lax.fori_loop(0, b_per_w, row, 0, unroll=4)

    pltpu.sync_copy(u_v, out_hbm.at[pl.ds(base, b_per_w)])


def kernel(idx_user_id, idx_item_id, idx_context_id, W_user, W_item, W_ctx):
    b = idx_user_id.shape[0]
    d = W_user.shape[1]
    b_per_w = b // _NW

    mesh = plsc.VectorSubcoreMesh(core_axis_name="c", subcore_axis_name="s")
    f = pl.kernel(
        functools.partial(_body, b_per_w, d),
        out_type=jax.ShapeDtypeStruct((b, d), jnp.float32),
        mesh=mesh,
        compiler_params=pltpu.CompilerParams(use_tc_tiling_on_sc=False),
        scratch_types=[
            pltpu.VMEM((b_per_w,), jnp.int32),
            pltpu.VMEM((b_per_w,), jnp.int32),
            pltpu.VMEM((b_per_w,), jnp.int32),
            pltpu.VMEM((b_per_w, d), jnp.float32),
            pltpu.VMEM((b_per_w, d), jnp.float32),
            pltpu.VMEM((b_per_w, d), jnp.float32),
            pltpu.SemaphoreType.DMA,
            pltpu.SemaphoreType.DMA,
            pltpu.SemaphoreType.DMA,
        ],
    )
    return f(W_user, W_item, W_ctx, idx_user_id, idx_item_id, idx_context_id)

# --- scband reference (transcript-rebuilt; emitter-appended) ---
"""Pipeline reference for scband-concat-bi-interaction-cell-22634477650206 (READ-ONLY COPY).

The authoritative reference and input builder live on the scoring server;
editing this copy changes nothing except your own understanding.
"""

import jax, jax.numpy as jnp
import numpy as np

B = 16384
D = 64
V_USER = 1000000
V_ITEM = 100000
V_CTX = 100000
SIGMA = 0.1


def setup_inputs(seed: int = 0) -> dict:
    key = jax.random.key(seed)
    k1, k2, k3, k4, k5, k6 = jax.random.split(key, 6)
    return {
        "idx_user_id": jax.random.randint(k1, (B,), 0, V_USER, dtype=jnp.int32),
        "idx_item_id": jax.random.randint(k2, (B,), 0, V_ITEM, dtype=jnp.int32),
        "idx_context_id": jax.random.randint(k3, (B,), 0, V_CTX, dtype=jnp.int32),
        "W_user": jax.random.normal(k4, (V_USER, D), dtype=jnp.float32) * SIGMA,
        "W_item": jax.random.normal(k5, (V_ITEM, D), dtype=jnp.float32) * SIGMA,
        "W_ctx": jax.random.normal(k6, (V_CTX, D), dtype=jnp.float32) * SIGMA,
    }


def reference(idx_user_id, idx_item_id, idx_context_id, W_user, W_item, W_ctx):
    # SparseProjectorFunction.apply(one_hot(idx), W) == embedding gather W[idx]
    # left side = sum of projections over left features ('user_id', 'item_id')
    left_pr = jnp.take(W_user, idx_user_id, axis=0) + jnp.take(W_item, idx_item_id, axis=0)
    # right side = projection of 'context_id'
    right_pr = jnp.take(W_ctx, idx_context_id, axis=0)
    # interaction == 'multiply': elementwise product
    return left_pr * right_pr

if __name__ == "__main__":
    import jax
    _d = setup_inputs()
    print(jax.jit(kernel)(*tuple(_d.values())))

</pallas_src>

<mosaic_0001>
#map = affine_map<(d0, d1) -> (0, 0)>
#map1 = affine_map<(d0, d1) -> (0)>
module attributes {stable_mosaic.version = 14 : i64} {
  func.func @_body(%arg0: i32, %arg1: i32, %arg2: memref<1000000x64xf32, #tpu.memory_space<hbm>>, %arg3: memref<100000x64xf32, #tpu.memory_space<hbm>>, %arg4: memref<100000x64xf32, #tpu.memory_space<hbm>>, %arg5: memref<16384xi32, #tpu.memory_space<hbm>>, %arg6: memref<16384xi32, #tpu.memory_space<hbm>>, %arg7: memref<16384xi32, #tpu.memory_space<hbm>>, %arg8: memref<16384x64xf32, #tpu.memory_space<hbm>>, %arg9: memref<512xi32, #tpu.memory_space<vmem>>, %arg10: memref<512xi32, #tpu.memory_space<vmem>>, %arg11: memref<512xi32, #tpu.memory_space<vmem>>, %arg12: memref<512x64xf32, #tpu.memory_space<vmem>>, %arg13: memref<512x64xf32, #tpu.memory_space<vmem>>, %arg14: memref<512x64xf32, #tpu.memory_space<vmem>>, %arg15: memref<!tpu.dma_semaphore, #tpu.memory_space<semaphore_mem>>, %arg16: memref<!tpu.dma_semaphore, #tpu.memory_space<semaphore_mem>>, %arg17: memref<!tpu.dma_semaphore, #tpu.memory_space<semaphore_mem>>) attributes {dimension_semantics = [#tpu.dimension_semantics<core_parallel>, #tpu.dimension_semantics<subcore_parallel>], iteration_bounds = array<i64: 2, 16>, scalar_prefetch = 0 : i64, scratch_operands = 9 : i64, tpu.core_type = #tpu.core_type<sc_vector_subcore>, window_params = [{transform_indices = #map}, {transform_indices = #map}, {transform_indices = #map}, {transform_indices = #map1}, {transform_indices = #map1}, {transform_indices = #map1}, {transform_indices = #map}]} {
    %mul3A = arith.constant 2 : i32
    %mul3A_0 = arith.muli %arg1, %mul3A : i32
    %add3A = arith.addi %mul3A_0, %arg0 : i32
    %mul3A_1 = arith.constant 512 : i32
    %mul3A_2 = arith.muli %add3A, %mul3A_1 : i32
    "tpu.region"() ({
      %run_scoped3A = tpu.sem_alloc : memref<!tpu.dma_semaphore, #tpu.memory_space<semaphore_mem>>
      %dma_start3A_24 = tpu.memref_slice %arg5[%mul3A_2] : memref<16384xi32, #tpu.memory_space<hbm>> -> memref<512xi32, #tpu.memory_space<hbm>>
      %dma_start3A_25 = tpu.memref_slice %arg5[%mul3A_2] : memref<16384xi32, #tpu.memory_space<hbm>> -> memref<512xi32, #tpu.memory_space<hbm>>
      tpu.enqueue_dma source(%dma_start3A_25 : memref<512xi32, #tpu.memory_space<hbm>>) target(%arg9 : memref<512xi32, #tpu.memory_space<vmem>>) target_semaphore(%run_scoped3A : memref<!tpu.dma_semaphore, #tpu.memory_space<semaphore_mem>>)
      %dma_wait3A_26 = tpu.memref_slice %arg5[%mul3A_2] : memref<16384xi32, #tpu.memory_space<hbm>> -> memref<512xi32, #tpu.memory_space<hbm>>
      %dma_wait3A_27 = tpu.memref_slice %arg5[%mul3A_2] : memref<16384xi32, #tpu.memory_space<hbm>> -> memref<512xi32, #tpu.memory_space<hbm>>
      tpu.wait_dma2 semaphore(%run_scoped3A : memref<!tpu.dma_semaphore, #tpu.memory_space<semaphore_mem>>) src(%dma_wait3A_27 : memref<512xi32, #tpu.memory_space<hbm>>) dst(%arg9 : memref<512xi32, #tpu.memory_space<vmem>>)
      tpu.yield
    }) : () -> ()
    "tpu.region"() ({
      %run_scoped3A = tpu.sem_alloc : memref<!tpu.dma_semaphore, #tpu.memory_space<semaphore_mem>>
      %dma_start3A_24 = tpu.memref_slice %arg6[%mul3A_2] : memref<16384xi32, #tpu.memory_space<hbm>> -> memref<512xi32, #tpu.memory_space<hbm>>
      %dma_start3A_25 = tpu.memref_slice %arg6[%mul3A_2] : memref<16384xi32, #tpu.memory_space<hbm>> -> memref<512xi32, #tpu.memory_space<hbm>>
      tpu.enqueue_dma source(%dma_start3A_25 : memref<512xi32, #tpu.memory_space<hbm>>) target(%arg10 : memref<512xi32, #tpu.memory_space<vmem>>) target_semaphore(%run_scoped3A : memref<!tpu.dma_semaphore, #tpu.memory_space<semaphore_mem>>)
      %dma_wait3A_26 = tpu.memref_slice %arg6[%mul3A_2] : memref<16384xi32, #tpu.memory_space<hbm>> -> memref<512xi32, #tpu.memory_space<hbm>>
      %dma_wait3A_27 = tpu.memref_slice %arg6[%mul3A_2] : memref<16384xi32, #tpu.memory_space<hbm>> -> memref<512xi32, #tpu.memory_space<hbm>>
      tpu.wait_dma2 semaphore(%run_scoped3A : memref<!tpu.dma_semaphore, #tpu.memory_space<semaphore_mem>>) src(%dma_wait3A_27 : memref<512xi32, #tpu.memory_space<hbm>>) dst(%arg10 : memref<512xi32, #tpu.memory_space<vmem>>)
      tpu.yield
    }) : () -> ()
    "tpu.region"() ({
      %run_scoped3A = tpu.sem_alloc : memref<!tpu.dma_semaphore, #tpu.memory_space<semaphore_mem>>
      %dma_start3A_24 = tpu.memref_slice %arg7[%mul3A_2] : memref<16384xi32, #tpu.memory_space<hbm>> -> memref<512xi32, #tpu.memory_space<hbm>>
      %dma_start3A_25 = tpu.memref_slice %arg7[%mul3A_2] : memref<16384xi32, #tpu.memory_space<hbm>> -> memref<512xi32, #tpu.memory_space<hbm>>
      tpu.enqueue_dma source(%dma_start3A_25 : memref<512xi32, #tpu.memory_space<hbm>>) target(%arg11 : memref<512xi32, #tpu.memory_space<vmem>>) target_semaphore(%run_scoped3A : memref<!tpu.dma_semaphore, #tpu.memory_space<semaphore_mem>>)
      %dma_wait3A_26 = tpu.memref_slice %arg7[%mul3A_2] : memref<16384xi32, #tpu.memory_space<hbm>> -> memref<512xi32, #tpu.memory_space<hbm>>
      %dma_wait3A_27 = tpu.memref_slice %arg7[%mul3A_2] : memref<16384xi32, #tpu.memory_space<hbm>> -> memref<512xi32, #tpu.memory_space<hbm>>
      tpu.wait_dma2 semaphore(%run_scoped3A : memref<!tpu.dma_semaphore, #tpu.memory_space<semaphore_mem>>) src(%dma_wait3A_27 : memref<512xi32, #tpu.memory_space<hbm>>) dst(%arg11 : memref<512xi32, #tpu.memory_space<vmem>>)
      tpu.yield
    }) : () -> ()
    %dma_start3A = arith.constant 0 : i32
    %dma_start3A_3 = arith.constant 0 : i32
    %dma_start3A_4 = tpu.memref_slice %arg2[%dma_start3A, %dma_start3A_3] : memref<1000000x64xf32, #tpu.memory_space<hbm>> -> memref<1000000x64xf32, #tpu.memory_space<hbm>>
    tpu.enqueue_indirect_dma source(%dma_start3A_4 : memref<1000000x64xf32, #tpu.memory_space<hbm>>) target(%arg12 : memref<512x64xf32, #tpu.memory_space<vmem>>) offsets(%arg9 : memref<512xi32, #tpu.memory_space<vmem>>) semaphore(%arg15 : memref<!tpu.dma_semaphore, #tpu.memory_space<semaphore_mem>>)
    %dma_start3A_5 = arith.constant 0 : i32
    %dma_start3A_6 = arith.constant 0 : i32
    %dma_start3A_7 = tpu.memref_slice %arg3[%dma_start3A_5, %dma_start3A_6] : memref<100000x64xf32, #tpu.memory_space<hbm>> -> memref<100000x64xf32, #tpu.memory_space<hbm>>
    tpu.enqueue_indirect_dma source(%dma_start3A_7 : memref<100000x64xf32, #tpu.memory_space<hbm>>) target(%arg13 : memref<512x64xf32, #tpu.memory_space<vmem>>) offsets(%arg10 : memref<512xi32, #tpu.memory_space<vmem>>) semaphore(%arg16 : memref<!tpu.dma_semaphore, #tpu.memory_space<semaphore_mem>>)
    %dma_start3A_8 = arith.constant 0 : i32
    %dma_start3A_9 = arith.constant 0 : i32
    %dma_start3A_10 = tpu.memref_slice %arg4[%dma_start3A_8, %dma_start3A_9] : memref<100000x64xf32, #tpu.memory_space<hbm>> -> memref<100000x64xf32, #tpu.memory_space<hbm>>
    tpu.enqueue_indirect_dma source(%dma_start3A_10 : memref<100000x64xf32, #tpu.memory_space<hbm>>) target(%arg14 : memref<512x64xf32, #tpu.memory_space<vmem>>) offsets(%arg11 : memref<512xi32, #tpu.memory_space<vmem>>) semaphore(%arg17 : memref<!tpu.dma_semaphore, #tpu.memory_space<semaphore_mem>>)
    %dma_wait3A = arith.constant 0 : i32
    %dma_wait3A_11 = arith.constant 0 : i32
    %dma_wait3A_12 = tpu.memref_slice %arg2[%dma_wait3A, %dma_wait3A_11] : memref<1000000x64xf32, #tpu.memory_space<hbm>> -> memref<1000000x64xf32, #tpu.memory_space<hbm>>
    tpu.wait_indirect_dma semaphore(%arg15 : memref<!tpu.dma_semaphore, #tpu.memory_space<semaphore_mem>>) src(%dma_wait3A_12 : memref<1000000x64xf32, #tpu.memory_space<hbm>>) dst(%arg12 : memref<512x64xf32, #tpu.memory_space<vmem>>)
    %dma_wait3A_13 = arith.constant 0 : i32
    %dma_wait3A_14 = arith.constant 0 : i32
    %dma_wait3A_15 = tpu.memref_slice %arg3[%dma_wait3A_13, %dma_wait3A_14] : memref<100000x64xf32, #tpu.memory_space<hbm>> -> memref<100000x64xf32, #tpu.memory_space<hbm>>
    tpu.wait_indirect_dma semaphore(%arg16 : memref<!tpu.dma_semaphore, #tpu.memory_space<semaphore_mem>>) src(%dma_wait3A_15 : memref<100000x64xf32, #tpu.memory_space<hbm>>) dst(%arg13 : memref<512x64xf32, #tpu.memory_space<vmem>>)
    %dma_wait3A_16 = arith.constant 0 : i32
    %dma_wait3A_17 = arith.constant 0 : i32
    %dma_wait3A_18 = tpu.memref_slice %arg4[%dma_wait3A_16, %dma_wait3A_17] : memref<100000x64xf32, #tpu.memory_space<hbm>> -> memref<100000x64xf32, #tpu.memory_space<hbm>>
    tpu.wait_indirect_dma semaphore(%arg17 : memref<!tpu.dma_semaphore, #tpu.memory_space<semaphore_mem>>) src(%dma_wait3A_18 : memref<100000x64xf32, #tpu.memory_space<hbm>>) dst(%arg14 : memref<512x64xf32, #tpu.memory_space<vmem>>)
    %scan3A = arith.constant 0 : i32
    %scan3A_19 = arith.constant 0 : i32
    %scan3A_20 = arith.constant 512 : i32
    %scan3A_21 = arith.addi %scan3A_19, %scan3A_20 : i32
    %scan3A_22 = arith.constant 4 : i32
    scf.for %scan3A_24 = %scan3A_19 to %scan3A_21 step %scan3A_22  : i32 {
      %get3A = arith.index_cast %scan3A_24 : i32 to index
      %get3A_25 = arith.constant 0 : index
      %get3A_26 = tpu.vector_load %arg12[%get3A, %get3A_25] {strides = array<i32>} : memref<512x64xf32, #tpu.memory_space<vmem>>, vector<1x16xf32>,
      %get3A_27 = vector.shape_cast %get3A_26 : vector<1x16xf32> to vector<16xf32>
      %get3A_28 = arith.index_cast %scan3A_24 : i32 to index
      %get3A_29 = arith.constant 0 : index
      %get3A_30 = tpu.vector_load %arg13[%get3A_28, %get3A_29] {strides = array<i32>} : memref<512x64xf32, #tpu.memory_space<vmem>>, vector<1x16xf32>,
      %get3A_31 = vector.shape_cast %get3A_30 : vector<1x16xf32> to vector<16xf32>
      %add3A_32 = arith.addf %get3A_27, %get3A_31 : vector<16xf32>
      %get3A_33 = arith.index_cast %scan3A_24 : i32 to index
      %get3A_34 = arith.constant 0 : index
      %get3A_35 = tpu.vector_load %arg14[%get3A_33, %get3A_34] {strides = array<i32>} : memref<512x64xf32, #tpu.memory_space<vmem>>, vector<1x16xf32>,
      %get3A_36 = vector.shape_cast %get3A_35 : vector<1x16xf32> to vector<16xf32>
      %mul3A_37 = arith.mulf %add3A_32, %get3A_36 : vector<16xf32>
      %swap3A = arith.index_cast %scan3A_24 : i32 to index
      %swap3A_38 = arith.constant 0 : index
      %swap3A_39 = tpu.vector_load %arg12[%swap3A, %swap3A_38] {strides = array<i32>} : memref<512x64xf32, #tpu.memory_space<vmem>>, vector<1x16xf32>,
      %swap3A_40 = vector.shape_cast %swap3A_39 : vector<1x16xf32> to vector<16xf32>
      %swap3A_41 = vector.shape_cast %mul3A_37 : vector<16xf32> to vector<1x16xf32>
      tpu.vector_store %arg12[%swap3A, %swap3A_38], %swap3A_41 {strides = array<i32>} : memref<512x64xf32, #tpu.memory_space<vmem>>, vector<1x16xf32>,
      %get3A_42 = arith.index_cast %scan3A_24 : i32 to index
      %get3A_43 = arith.constant 16 : index
      %get3A_44 = tpu.vector_load %arg12[%get3A_42, %get3A_43] {strides = array<i32>} : memref<512x64xf32, #tpu.memory_space<vmem>>, vector<1x16xf32>,
      %get3A_45 = vector.shape_cast %get3A_44 : vector<1x16xf32> to vector<16xf32>
      %get3A_46 = arith.index_cast %scan3A_24 : i32 to index
      %get3A_47 = arith.constant 16 : index
      %get3A_48 = tpu.vector_load %arg13[%get3A_46, %get3A_47] {strides = array<i32>} : memref<512x64xf32, #tpu.memory_space<vmem>>, vector<1x16xf32>,
      %get3A_49 = vector.shape_cast %get3A_48 : vector<1x16xf32> to vector<16xf32>
      %add3A_50 = arith.addf %get3A_45, %get3A_49 : vector<16xf32>
      %get3A_51 = arith.index_cast %scan3A_24 : i32 to index
      %get3A_52 = arith.constant 16 : index
      %get3A_53 = tpu.vector_load %arg14[%get3A_51, %get3A_52] {strides = array<i32>} : memref<512x64xf32, #tpu.memory_space<vmem>>, vector<1x16xf32>,
      %get3A_54 = vector.shape_cast %get3A_53 : vector<1x16xf32> to vector<16xf32>
      %mul3A_55 = arith.mulf %add3A_50, %get3A_54 : vector<16xf32>
      %swap3A_56 = arith.index_cast %scan3A_24 : i32 to index
      %swap3A_57 = arith.constant 16 : index
      %swap3A_58 = tpu.vector_load %arg12[%swap3A_56, %swap3A_57] {strides = array<i32>} : memref<512x64xf32, #tpu.memory_space<vmem>>, vector<1x16xf32>,
      %swap3A_59 = vector.shape_cast %swap3A_58 : vector<1x16xf32> to vector<16xf32>
      %swap3A_60 = vector.shape_cast %mul3A_55 : vector<16xf32> to vector<1x16xf32>
      tpu.vector_store %arg12[%swap3A_56, %swap3A_57], %swap3A_60 {strides = array<i32>} : memref<512x64xf32, #tpu.memory_space<vmem>>, vector<1x16xf32>,
      %get3A_61 = arith.index_cast %scan3A_24 : i32 to index
      %get3A_62 = arith.constant 32 : index
      %get3A_63 = tpu.vector_load %arg12[%get3A_61, %get3A_62] {strides = array<i32>} : memref<512x64xf32, #tpu.memory_space<vmem>>, vector<1x16xf32>,
      %get3A_64 = vector.shape_cast %get3A_63 : vector<1x16xf32> to vector<16xf32>
      %get3A_65 = arith.index_cast %scan3A_24 : i32 to index
      %get3A_66 = arith.constant 32 : index
      %get3A_67 = tpu.vector_load %arg13[%get3A_65, %get3A_66] {strides = array<i32>} : memref<512x64xf32, #tpu.memory_space<vmem>>, vector<1x16xf32>,
      %get3A_68 = vector.shape_cast %get3A_67 : vector<1x16xf32> to vector<16xf32>
      %add3A_69 = arith.addf %get3A_64, %get3A_68 : vector<16xf32>
      %get3A_70 = arith.index_cast %scan3A_24 : i32 to index
      %get3A_71 = arith.constant 32 : index
      %get3A_72 = tpu.vector_load %arg14[%get3A_70, %get3A_71] {strides = array<i32>} : memref<512x64xf32, #tpu.memory_space<vmem>>, vector<1x16xf32>,
      %get3A_73 = vector.shape_cast %get3A_72 : vector<1x16xf32> to vector<16xf32>
      %mul3A_74 = arith.mulf %add3A_69, %get3A_73 : vector<16xf32>
      %swap3A_75 = arith.index_cast %scan3A_24 : i32 to index
      %swap3A_76 = arith.constant 32 : index
      %swap3A_77 = tpu.vector_load %arg12[%swap3A_75, %swap3A_76] {strides = array<i32>} : memref<512x64xf32, #tpu.memory_space<vmem>>, vector<1x16xf32>,
      %swap3A_78 = vector.shape_cast %swap3A_77 : vector<1x16xf32> to vector<16xf32>
      %swap3A_79 = vector.shape_cast %mul3A_74 : vector<16xf32> to vector<1x16xf32>
      tpu.vector_store %arg12[%swap3A_75, %swap3A_76], %swap3A_79 {strides = array<i32>} : memref<512x64xf32, #tpu.memory_space<vmem>>, vector<1x16xf32>,
      %get3A_80 = arith.index_cast %scan3A_24 : i32 to index
      %get3A_81 = arith.constant 48 : index
      %get3A_82 = tpu.vector_load %arg12[%get3A_80, %get3A_81] {strides = array<i32>} : memref<512x64xf32, #tpu.memory_space<vmem>>, vector<1x16xf32>,
      %get3A_83 = vector.shape_cast %get3A_82 : vector<1x16xf32> to vector<16xf32>
      %get3A_84 = arith.index_cast %scan3A_24 : i32 to index
      %get3A_85 = arith.constant 48 : index
      %get3A_86 = tpu.vector_load %arg13[%get3A_84, %get3A_85] {strides = array<i32>} : memref<512x64xf32, #tpu.memory_space<vmem>>, vector<1x16xf32>,
      %get3A_87 = vector.shape_cast %get3A_86 : vector<1x16xf32> to vector<16xf32>
      %add3A_88 = arith.addf %get3A_83, %get3A_87 : vector<16xf32>
      %get3A_89 = arith.index_cast %scan3A_24 : i32 to index
      %get3A_90 = arith.constant 48 : index
      %get3A_91 = tpu.vector_load %arg14[%get3A_89, %get3A_90] {strides = array<i32>} : memref<512x64xf32, #tpu.memory_space<vmem>>, vector<1x16xf32>,
      %get3A_92 = vector.shape_cast %get3A_91 : vector<1x16xf32> to vector<16xf32>
      %mul3A_93 = arith.mulf %add3A_88, %get3A_92 : vector<16xf32>
      %swap3A_94 = arith.index_cast %scan3A_24 : i32 to index
      %swap3A_95 = arith.constant 48 : index
      %swap3A_96 = tpu.vector_load %arg12[%swap3A_94, %swap3A_95] {strides = array<i32>} : memref<512x64xf32, #tpu.memory_space<vmem>>, vector<1x16xf32>,
      %swap3A_97 = vector.shape_cast %swap3A_96 : vector<1x16xf32> to vector<16xf32>
      %swap3A_98 = vector.shape_cast %mul3A_93 : vector<16xf32> to vector<1x16xf32>
      tpu.vector_store %arg12[%swap3A_94, %swap3A_95], %swap3A_98 {strides = array<i32>} : memref<512x64xf32, #tpu.memory_space<vmem>>, vector<1x16xf32>,
      %scan3A_99 = arith.constant 1 : i32
      %scan3A_100 = arith.addi %scan3A_24, %scan3A_99 : i32
      %get3A_101 = arith.index_cast %scan3A_100 : i32 to index
      %get3A_102 = arith.constant 0 : index
      %get3A_103 = tpu.vector_load %arg12[%get3A_101, %get3A_102] {strides = array<i32>} : memref<512x64xf32, #tpu.memory_space<vmem>>, vector<1x16xf32>,
      %get3A_104 = vector.shape_cast %get3A_103 : vector<1x16xf32> to vector<16xf32>
      %get3A_105 = arith.index_cast %scan3A_100 : i32 to index
      %get3A_106 = arith.constant 0 : index
      %get3A_107 = tpu.vector_load %arg13[%get3A_105, %get3A_106] {strides = array<i32>} : memref<512x64xf32, #tpu.memory_space<vmem>>, vector<1x16xf32>,
      %get3A_108 = vector.shape_cast %get3A_107 : vector<1x16xf32> to vector<16xf32>
      %add3A_109 = arith.addf %get3A_104, %get3A_108 : vector<16xf32>
      %get3A_110 = arith.index_cast %scan3A_100 : i32 to index
      %get3A_111 = arith.constant 0 : index
      %get3A_112 = tpu.vector_load %arg14[%get3A_110, %get3A_111] {strides = array<i32>} : memref<512x64xf32, #tpu.memory_space<vmem>>, vector<1x16xf32>,
      %get3A_113 = vector.shape_cast %get3A_112 : vector<1x16xf32> to vector<16xf32>
      %mul3A_114 = arith.mulf %add3A_109, %get3A_113 : vector<16xf32>
      %swap3A_115 = arith.index_cast %scan3A_100 : i32 to index
      %swap3A_116 = arith.constant 0 : index
      %swap3A_117 = tpu.vector_load %arg12[%swap3A_115, %swap3A_116] {strides = array<i32>} : memref<512x64xf32, #tpu.memory_space<vmem>>, vector<1x16xf32>,
      %swap3A_118 = vector.shape_cast %swap3A_117 : vector<1x16xf32> to vector<16xf32>
      %swap3A_119 = vector.shape_cast %mul3A_114 : vector<16xf32> to vector<1x16xf32>
      tpu.vector_store %arg12[%swap3A_115, %swap3A_116], %swap3A_119 {strides = array<i32>} : memref<512x64xf32, #tpu.memory_space<vmem>>, vector<1x16xf32>,
      %get3A_120 = arith.index_cast %scan3A_100 : i32 to index
      %get3A_121 = arith.constant 16 : index
      %get3A_122 = tpu.vector_load %arg12[%get3A_120, %get3A_121] {strides = array<i32>} : memref<512x64xf32, #tpu.memory_space<vmem>>, vector<1x16xf32>,
      %get3A_123 = vector.shape_cast %get3A_122 : vector<1x16xf32> to vector<16xf32>
      %get3A_124 = arith.index_cast %scan3A_100 : i32 to index
      %get3A_125 = arith.constant 16 : index
      %get3A_126 = tpu.vector_load %arg13[%get3A_124, %get3A_125] {strides = array<i32>} : memref<512x64xf32, #tpu.memory_space<vmem>>, vector<1x16xf32>,
      %get3A_127 = vector.shape_cast %get3A_126 : vector<1x16xf32> to vector<16xf32>
      %add3A_128 = arith.addf %get3A_123, %get3A_127 : vector<16xf32>
      %get3A_129 = arith.index_cast %scan3A_100 : i32 to index
      %get3A_130 = arith.constant 16 : index
      %get3A_131 = tpu.vector_load %arg14[%get3A_129, %get3A_130] {strides = array<i32>} : memref<512x64xf32, #tpu.memory_space<vmem>>, vector<1x16xf32>,
      %get3A_132 = vector.shape_cast %get3A_131 : vector<1x16xf32> to vector<16xf32>
      %mul3A_133 = arith.mulf %add3A_128, %get3A_132 : vector<16xf32>
      %swap3A_134 = arith.index_cast %scan3A_100 : i32 to index
      %swap3A_135 = arith.constant 16 : index
      %swap3A_136 = tpu.vector_load %arg12[%swap3A_134, %swap3A_135] {strides = array<i32>} : memref<512x64xf32, #tpu.memory_space<vmem>>, vector<1x16xf32>,
      %swap3A_137 = vector.shape_cast %swap3A_136 : vector<1x16xf32> to vector<16xf32>
      %swap3A_138 = vector.shape_cast %mul3A_133 : vector<16xf32> to vector<1x16xf32>
      tpu.vector_store %arg12[%swap3A_134, %swap3A_135], %swap3A_138 {strides = array<i32>} : memref<512x64xf32, #tpu.memory_space<vmem>>, vector<1x16xf32>,
      %get3A_139 = arith.index_cast %scan3A_100 : i32 to index
      %get3A_140 = arith.constant 32 : index
      %get3A_141 = tpu.vector_load %arg12[%get3A_139, %get3A_140] {strides = array<i32>} : memref<512x64xf32, #tpu.memory_space<vmem>>, vector<1x16xf32>,
      %get3A_142 = vector.shape_cast %get3A_141 : vector<1x16xf32> to vector<16xf32>
      %get3A_143 = arith.index_cast %scan3A_100 : i32 to index
      %get3A_144 = arith.constant 32 : index
      %get3A_145 = tpu.vector_load %arg13[%get3A_143, %get3A_144] {strides = array<i32>} : memref<512x64xf32, #tpu.memory_space<vmem>>, vector<1x16xf32>,
      %get3A_146 = vector.shape_cast %get3A_145 : vector<1x16xf32> to vector<16xf32>
      %add3A_147 = arith.addf %get3A_142, %get3A_146 : vector<16xf32>
      %get3A_148 = arith.index_cast %scan3A_100 : i32 to index
      %get3A_149 = arith.constant 32 : index
      %get3A_150 = tpu.vector_load %arg14[%get3A_148, %get3A_149] {strides = array<i32>} : memref<512x64xf32, #tpu.memory_space<vmem>>, vector<1x16xf32>,
      %get3A_151 = vector.shape_cast %get3A_150 : vector<1x16xf32> to vector<16xf32>
      %mul3A_152 = arith.mulf %add3A_147, %get3A_151 : vector<16xf32>
      %swap3A_153 = arith.index_cast %scan3A_100 : i32 to index
      %swap3A_154 = arith.constant 32 : index
      %swap3A_155 = tpu.vector_load %arg12[%swap3A_153, %swap3A_154] {strides = array<i32>} : memref<512x64xf32, #tpu.memory_space<vmem>>, vector<1x16xf32>,
      %swap3A_156 = vector.shape_cast %swap3A_155 : vector<1x16xf32> to vector<16xf32>
      %swap3A_157 = vector.shape_cast %mul3A_152 : vector<16xf32> to vector<1x16xf32>
      tpu.vector_store %arg12[%swap3A_153, %swap3A_154], %swap3A_157 {strides = array<i32>} : memref<512x64xf32, #tpu.memory_space<vmem>>, vector<1x16xf32>,
      %get3A_158 = arith.index_cast %scan3A_100 : i32 to index
      %get3A_159 = arith.constant 48 : index
      %get3A_160 = tpu.vector_load %arg12[%get3A_158, %get3A_159] {strides = array<i32>} : memref<512x64xf32, #tpu.memory_space<vmem>>, vector<1x16xf32>,
      %get3A_161 = vector.shape_cast %get3A_160 : vector<1x16xf32> to vector<16xf32>
      %get3A_162 = arith.index_cast %scan3A_100 : i32 to index
      %get3A_163 = arith.constant 48 : index
      %get3A_164 = tpu.vector_load %arg13[%get3A_162, %get3A_163] {strides = array<i32>} : memref<512x64xf32, #tpu.memory_space<vmem>>, vector<1x16xf32>,
      %get3A_165 = vector.shape_cast %get3A_164 : vector<1x16xf32> to vector<16xf32>
      %add3A_166 = arith.addf %get3A_161, %get3A_165 : vector<16xf32>
      %get3A_167 = arith.index_cast %scan3A_100 : i32 to index
      %get3A_168 = arith.constant 48 : index
      %get3A_169 = tpu.vector_load %arg14[%get3A_167, %get3A_168] {strides = array<i32>} : memref<512x64xf32, #tpu.memory_space<vmem>>, vector<1x16xf32>,
      %get3A_170 = vector.shape_cast %get3A_169 : vector<1x16xf32> to vector<16xf32>
      %mul3A_171 = arith.mulf %add3A_166, %get3A_170 : vector<16xf32>
      %swap3A_172 = arith.index_cast %scan3A_100 : i32 to index
      %swap3A_173 = arith.constant 48 : index
      %swap3A_174 = tpu.vector_load %arg12[%swap3A_172, %swap3A_173] {strides = array<i32>} : memref<512x64xf32, #tpu.memory_space<vmem>>, vector<1x16xf32>,
      %swap3A_175 = vector.shape_cast %swap3A_174 : vector<1x16xf32> to vector<16xf32>
      %swap3A_176 = vector.shape_cast %mul3A_171 : vector<16xf32> to vector<1x16xf32>
      tpu.vector_store %arg12[%swap3A_172, %swap3A_173], %swap3A_176 {strides = array<i32>} : memref<512x64xf32, #tpu.memory_space<vmem>>, vector<1x16xf32>,
      %scan3A_177 = arith.constant 2 : i32
      %scan3A_178 = arith.addi %scan3A_24, %scan3A_177 : i32
      %get3A_179 = arith.index_cast %scan3A_178 : i32 to index
      %get3A_180 = arith.constant 0 : index
      %get3A_181 = tpu.vector_load %arg12[%get3A_179, %get3A_180] {strides = array<i32>} : memref<512x64xf32, #tpu.memory_space<vmem>>, vector<1x16xf32>,
      %get3A_182 = vector.shape_cast %get3A_181 : vector<1x16xf32> to vector<16xf32>
      %get3A_183 = arith.index_cast %scan3A_178 : i32 to index
      %get3A_184 = arith.constant 0 : index
      %get3A_185 = tpu.vector_load %arg13[%get3A_183, %get3A_184] {strides = array<i32>} : memref<512x64xf32, #tpu.memory_space<vmem>>, vector<1x16xf32>,
      %get3A_186 = vector.shape_cast %get3A_185 : vector<1x16xf32> to vector<16xf32>
      %add3A_187 = arith.addf %get3A_182, %get3A_186 : vector<16xf32>
      %get3A_188 = arith.index_cast %scan3A_178 : i32 to index
      %get3A_189 = arith.constant 0 : index
      %get3A_190 = tpu.vector_load %arg14[%get3A_188, %get3A_189] {strides = array<i32>} : memref<512x64xf32, #tpu.memory_space<vmem>>, vector<1x16xf32>,
      %get3A_191 = vector.shape_cast %get3A_190 : vector<1x16xf32> to vector<16xf32>
      %mul3A_192 = arith.mulf %add3A_187, %get3A_191 : vector<16xf32>
      %swap3A_193 = arith.index_cast %scan3A_178 : i32 to index
      %swap3A_194 = arith.constant 0 : index
      %swap3A_195 = tpu.vector_load %arg12[%swap3A_193, %swap3A_194] {strides = array<i32>} : memref<512x64xf32, #tpu.memory_space<vmem>>, vector<1x16xf32>,
      %swap3A_196 = vector.shape_cast %swap3A_195 : vector<1x16xf32> to vector<16xf32>
      %swap3A_197 = vector.shape_cast %mul3A_192 : vector<16xf32> to vector<1x16xf32>
      tpu.vector_store %arg12[%swap3A_193, %swap3A_194], %swap3A_197 {strides = array<i32>} : memref<512x64xf32, #tpu.memory_space<vmem>>, vector<1x16xf32>,
      %get3A_198 = arith.index_cast %scan3A_178 : i32 to index
      %get3A_199 = arith.constant 16 : index
      %get3A_200 = tpu.vector_load %arg12[%get3A_198, %get3A_199] {strides = array<i32>} : memref<512x64xf32, #tpu.memory_space<vmem>>, vector<1x16xf32>,
      %get3A_201 = vector.shape_cast %get3A_200 : vector<1x16xf32> to vector<16xf32>
      %get3A_202 = arith.index_cast %scan3A_178 : i32 to index
      %get3A_203 = arith.constant 16 : index
      %get3A_204 = tpu.vector_load %arg13[%get3A_202, %get3A_203] {strides = array<i32>} : memref<512x64xf32, #tpu.memory_space<vmem>>, vector<1x16xf32>,
      %get3A_205 = vector.shape_cast %get3A_204 : vector<1x16xf32> to vector<16xf32>
      %add3A_206 = arith.addf %get3A_201, %get3A_205 : vector<16xf32>
      %get3A_207 = arith.index_cast %scan3A_178 : i32 to index
      %get3A_208 = arith.constant 16 : index
      %get3A_209 = tpu.vector_load %arg14[%get3A_207, %get3A_208] {strides = array<i32>} : memref<512x64xf32, #tpu.memory_space<vmem>>, vector<1x16xf32>,
      %get3A_210 = vector.shape_cast %get3A_209 : vector<1x16xf32> to vector<16xf32>
      %mul3A_211 = arith.mulf %add3A_206, %get3A_210 : vector<16xf32>
      %swap3A_212 = arith.index_cast %scan3A_178 : i32 to index
      %swap3A_213 = arith.constant 16 : index
      %swap3A_214 = tpu.vector_load %arg12[%swap3A_212, %swap3A_213] {strides = array<i32>} : memref<512x64xf32, #tpu.memory_space<vmem>>, vector<1x16xf32>,
      %swap3A_215 = vector.shape_cast %swap3A_214 : vector<1x16xf32> to vector<16xf32>
      %swap3A_216 = vector.shape_cast %mul3A_211 : vector<16xf32> to vector<1x16xf32>
      tpu.vector_store %arg12[%swap3A_212, %swap3A_213], %swap3A_216 {strides = array<i32>} : memref<512x64xf32, #tpu.memory_space<vmem>>, vector<1x16xf32>,
      %get3A_217 = arith.index_cast %scan3A_178 : i32 to index
      %get3A_218 = arith.constant 32 : index
      %get3A_219 = tpu.vector_load %arg12[%get3A_217, %get3A_218] {strides = array<i32>} : memref<512x64xf32, #tpu.memory_space<vmem>>, vector<1x16xf32>,
      %get3A_220 = vector.shape_cast %get3A_219 : vector<1x16xf32> to vector<16xf32>
      %get3A_221 = arith.index_cast %scan3A_178 : i32 to index
      %get3A_222 = arith.constant 32 : index
      %get3A_223 = tpu.vector_load %arg13[%get3A_221, %get3A_222] {strides = array<i32>} : memref<512x64xf32, #tpu.memory_space<vmem>>, vector<1x16xf32>,
      %get3A_224 = vector.shape_cast %get3A_223 : vector<1x16xf32> to vector<16xf32>
      %add3A_225 = arith.addf %get3A_220, %get3A_224 : vector<16xf32>
      %get3A_226 = arith.index_cast %scan3A_178 : i32 to index
      %get3A_227 = arith.constant 32 : index
      %get3A_228 = tpu.vector_load %arg14[%get3A_226, %get3A_227] {strides = array<i32>} : memref<512x64xf32, #tpu.memory_space<vmem>>, vector<1x16xf32>,
      %get3A_229 = vector.shape_cast %get3A_228 : vector<1x16xf32> to vector<16xf32>
      %mul3A_230 = arith.mulf %add3A_225, %get3A_229 : vector<16xf32>
      %swap3A_231 = arith.index_cast %scan3A_178 : i32 to index
      %swap3A_232 = arith.constant 32 : index
      %swap3A_233 = tpu.vector_load %arg12[%swap3A_231, %swap3A_232] {strides = array<i32>} : memref<512x64xf32, #tpu.memory_space<vmem>>, vector<1x16xf32>,
      %swap3A_234 = vector.shape_cast %swap3A_233 : vector<1x16xf32> to vector<16xf32>
      %swap3A_235 = vector.shape_cast %mul3A_230 : vector<16xf32> to vector<1x16xf32>
      tpu.vector_store %arg12[%swap3A_231, %swap3A_232], %swap3A_235 {strides = array<i32>} : memref<512x64xf32, #tpu.memory_space<vmem>>, vector<1x16xf32>,
      %get3A_236 = arith.index_cast %scan3A_178 : i32 to index
      %get3A_237 = arith.constant 48 : index
      %get3A_238 = tpu.vector_load %arg12[%get3A_236, %get3A_237] {strides = array<i32>} : memref<512x64xf32, #tpu.memory_space<vmem>>, vector<1x16xf32>,
      %get3A_239 = vector.shape_cast %get3A_238 : vector<1x16xf32> to vector<16xf32>
      %get3A_240 = arith.index_cast %scan3A_178 : i32 to index
      %get3A_241 = arith.constant 48 : index
      %get3A_242 = tpu.vector_load %arg13[%get3A_240, %get3A_241] {strides = array<i32>} : memref<512x64xf32, #tpu.memory_space<vmem>>, vector<1x16xf32>,
      %get3A_243 = vector.shape_cast %get3A_242 : vector<1x16xf32> to vector<16xf32>
      %add3A_244 = arith.addf %get3A_239, %get3A_243 : vector<16xf32>
      %get3A_245 = arith.index_cast %scan3A_178 : i32 to index
      %get3A_246 = arith.constant 48 : index
      %get3A_247 = tpu.vector_load %arg14[%get3A_245, %get3A_246] {strides = array<i32>} : memref<512x64xf32, #tpu.memory_space<vmem>>, vector<1x16xf32>,
      %get3A_248 = vector.shape_cast %get3A_247 : vector<1x16xf32> to vector<16xf32>
      %mul3A_249 = arith.mulf %add3A_244, %get3A_248 : vector<16xf32>
      %swap3A_250 = arith.index_cast %scan3A_178 : i32 to index
      %swap3A_251 = arith.constant 48 : index
      %swap3A_252 = tpu.vector_load %arg12[%swap3A_250, %swap3A_251] {strides = array<i32>} : memref<512x64xf32, #tpu.memory_space<vmem>>, vector<1x16xf32>,
      %swap3A_253 = vector.shape_cast %swap3A_252 : vector<1x16xf32> to vector<16xf32>
      %swap3A_254 = vector.shape_cast %mul3A_249 : vector<16xf32> to vector<1x16xf32>
      tpu.vector_store %arg12[%swap3A_250, %swap3A_251], %swap3A_254 {strides = array<i32>} : memref<512x64xf32, #tpu.memory_space<vmem>>, vector<1x16xf32>,
      %scan3A_255 = arith.constant 3 : i32
      %scan3A_256 = arith.addi %scan3A_24, %scan3A_255 : i32
      %get3A_257 = arith.index_cast %scan3A_256 : i32 to index
      %get3A_258 = arith.constant 0 : index
      %get3A_259 = tpu.vector_load %arg12[%get3A_257, %get3A_258] {strides = array<i32>} : memref<512x64xf32, #tpu.memory_space<vmem>>, vector<1x16xf32>,
      %get3A_260 = vector.shape_cast %get3A_259 : vector<1x16xf32> to vector<16xf32>
      %get3A_261 = arith.index_cast %scan3A_256 : i32 to index
      %get3A_262 = arith.constant 0 : index
      %get3A_263 = tpu.vector_load %arg13[%get3A_261, %get3A_262] {strides = array<i32>} : memref<512x64xf32, #tpu.memory_space<vmem>>, vector<1x16xf32>,
      %get3A_264 = vector.shape_cast %get3A_263 : vector<1x16xf32> to vector<16xf32>
      %add3A_265 = arith.addf %get3A_260, %get3A_264 : vector<16xf32>
      %get3A_266 = arith.index_cast %scan3A_256 : i32 to index
      %get3A_267 = arith.constant 0 : index
      %get3A_268 = tpu.vector_load %arg14[%get3A_266, %get3A_267] {strides = array<i32>} : memref<512x64xf32, #tpu.memory_space<vmem>>, vector<1x16xf32>,
      %get3A_269 = vector.shape_cast %get3A_268 : vector<1x16xf32> to vector<16xf32>
      %mul3A_270 = arith.mulf %add3A_265, %get3A_269 : vector<16xf32>
      %swap3A_271 = arith.index_cast %scan3A_256 : i32 to index
      %swap3A_272 = arith.constant 0 : index
      %swap3A_273 = tpu.vector_load %arg12[%swap3A_271, %swap3A_272] {strides = array<i32>} : memref<512x64xf32, #tpu.memory_space<vmem>>, vector<1x16xf32>,
      %swap3A_274 = vector.shape_cast %swap3A_273 : vector<1x16xf32> to vector<16xf32>
      %swap3A_275 = vector.shape_cast %mul3A_270 : vector<16xf32> to vector<1x16xf32>
      tpu.vector_store %arg12[%swap3A_271, %swap3A_272], %swap3A_275 {strides = array<i32>} : memref<512x64xf32, #tpu.memory_space<vmem>>, vector<1x16xf32>,
      %get3A_276 = arith.index_cast %scan3A_256 : i32 to index
      %get3A_277 = arith.constant 16 : index
      %get3A_278 = tpu.vector_load %arg12[%get3A_276, %get3A_277] {strides = array<i32>} : memref<512x64xf32, #tpu.memory_space<vmem>>, vector<1x16xf32>,
      %get3A_279 = vector.shape_cast %get3A_278 : vector<1x16xf32> to vector<16xf32>
      %get3A_280 = arith.index_cast %scan3A_256 : i32 to index
      %get3A_281 = arith.constant 16 : index
      %get3A_282 = tpu.vector_load %arg13[%get3A_280, %get3A_281] {strides = array<i32>} : memref<512x64xf32, #tpu.memory_space<vmem>>, vector<1x16xf32>,
      %get3A_283 = vector.shape_cast %get3A_282 : vector<1x16xf32> to vector<16xf32>
      %add3A_284 = arith.addf %get3A_279, %get3A_283 : vector<16xf32>
      %get3A_285 = arith.index_cast %scan3A_256 : i32 to index
      %get3A_286 = arith.constant 16 : index
      %get3A_287 = tpu.vector_load %arg14[%get3A_285, %get3A_286] {strides = array<i32>} : memref<512x64xf32, #tpu.memory_space<vmem>>, vector<1x16xf32>,
      %get3A_288 = vector.shape_cast %get3A_287 : vector<1x16xf32> to vector<16xf32>
      %mul3A_289 = arith.mulf %add3A_284, %get3A_288 : vector<16xf32>
      %swap3A_290 = arith.index_cast %scan3A_256 : i32 to index
      %swap3A_291 = arith.constant 16 : index
      %swap3A_292 = tpu.vector_load %arg12[%swap3A_290, %swap3A_291] {strides = array<i32>} : memref<512x64xf32, #tpu.memory_space<vmem>>, vector<1x16xf32>,
      %swap3A_293 = vector.shape_cast %swap3A_292 : vector<1x16xf32> to vector<16xf32>
      %swap3A_294 = vector.shape_cast %mul3A_289 : vector<16xf32> to vector<1x16xf32>
      tpu.vector_store %arg12[%swap3A_290, %swap3A_291], %swap3A_294 {strides = array<i32>} : memref<512x64xf32, #tpu.memory_space<vmem>>, vector<1x16xf32>,
      %get3A_295 = arith.index_cast %scan3A_256 : i32 to index
      %get3A_296 = arith.constant 32 : index
      %get3A_297 = tpu.vector_load %arg12[%get3A_295, %get3A_296] {strides = array<i32>} : memref<512x64xf32, #tpu.memory_space<vmem>>, vector<1x16xf32>,
      %get3A_298 = vector.shape_cast %get3A_297 : vector<1x16xf32> to vector<16xf32>
      %get3A_299 = arith.index_cast %scan3A_256 : i32 to index
      %get3A_300 = arith.constant 32 : index
      %get3A_301 = tpu.vector_load %arg13[%get3A_299, %get3A_300] {strides = array<i32>} : memref<512x64xf32, #tpu.memory_space<vmem>>, vector<1x16xf32>,
      %get3A_302 = vector.shape_cast %get3A_301 : vector<1x16xf32> to vector<16xf32>
      %add3A_303 = arith.addf %get3A_298, %get3A_302 : vector<16xf32>
      %get3A_304 = arith.index_cast %scan3A_256 : i32 to index
      %get3A_305 = arith.constant 32 : index
      %get3A_306 = tpu.vector_load %arg14[%get3A_304, %get3A_305] {strides = array<i32>} : memref<512x64xf32, #tpu.memory_space<vmem>>, vector<1x16xf32>,
      %get3A_307 = vector.shape_cast %get3A_306 : vector<1x16xf32> to vector<16xf32>
      %mul3A_308 = arith.mulf %add3A_303, %get3A_307 : vector<16xf32>
      %swap3A_309 = arith.index_cast %scan3A_256 : i32 to index
      %swap3A_310 = arith.constant 32 : index
      %swap3A_311 = tpu.vector_load %arg12[%swap3A_309, %swap3A_310] {strides = array<i32>} : memref<512x64xf32, #tpu.memory_space<vmem>>, vector<1x16xf32>,
      %swap3A_312 = vector.shape_cast %swap3A_311 : vector<1x16xf32> to vector<16xf32>
      %swap3A_313 = vector.shape_cast %mul3A_308 : vector<16xf32> to vector<1x16xf32>
      tpu.vector_store %arg12[%swap3A_309, %swap3A_310], %swap3A_313 {strides = array<i32>} : memref<512x64xf32, #tpu.memory_space<vmem>>, vector<1x16xf32>,
      %get3A_314 = arith.index_cast %scan3A_256 : i32 to index
      %get3A_315 = arith.constant 48 : index
      %get3A_316 = tpu.vector_load %arg12[%get3A_314, %get3A_315] {strides = array<i32>} : memref<512x64xf32, #tpu.memory_space<vmem>>, vector<1x16xf32>,
      %get3A_317 = vector.shape_cast %get3A_316 : vector<1x16xf32> to vector<16xf32>
      %get3A_318 = arith.index_cast %scan3A_256 : i32 to index
      %get3A_319 = arith.constant 48 : index
      %get3A_320 = tpu.vector_load %arg13[%get3A_318, %get3A_319] {strides = array<i32>} : memref<512x64xf32, #tpu.memory_space<vmem>>, vector<1x16xf32>,
      %get3A_321 = vector.shape_cast %get3A_320 : vector<1x16xf32> to vector<16xf32>
      %add3A_322 = arith.addf %get3A_317, %get3A_321 : vector<16xf32>
      %get3A_323 = arith.index_cast %scan3A_256 : i32 to index
      %get3A_324 = arith.constant 48 : index
      %get3A_325 = tpu.vector_load %arg14[%get3A_323, %get3A_324] {strides = array<i32>} : memref<512x64xf32, #tpu.memory_space<vmem>>, vector<1x16xf32>,
      %get3A_326 = vector.shape_cast %get3A_325 : vector<1x16xf32> to vector<16xf32>
      %mul3A_327 = arith.mulf %add3A_322, %get3A_326 : vector<16xf32>
      %swap3A_328 = arith.index_cast %scan3A_256 : i32 to index
      %swap3A_329 = arith.constant 48 : index
      %swap3A_330 = tpu.vector_load %arg12[%swap3A_328, %swap3A_329] {strides = array<i32>} : memref<512x64xf32, #tpu.memory_space<vmem>>, vector<1x16xf32>,
      %swap3A_331 = vector.shape_cast %swap3A_330 : vector<1x16xf32> to vector<16xf32>
      %swap3A_332 = vector.shape_cast %mul3A_327 : vector<16xf32> to vector<1x16xf32>
      tpu.vector_store %arg12[%swap3A_328, %swap3A_329], %swap3A_332 {strides = array<i32>} : memref<512x64xf32, #tpu.memory_space<vmem>>, vector<1x16xf32>,
    }
    %scan3A_23 = arith.constant 512 : i32
    "tpu.region"() ({
      %run_scoped3A = tpu.sem_alloc : memref<!tpu.dma_semaphore, #tpu.memory_space<semaphore_mem>>
      %dma_start3A_24 = arith.constant 0 : i32
      %dma_start3A_25 = tpu.memref_slice %arg8[%mul3A_2, %dma_start3A_24] : memref<16384x64xf32, #tpu.memory_space<hbm>> -> memref<512x64xf32, #tpu.memory_space<hbm>>
      %dma_start3A_26 = arith.constant 0 : i32
      %dma_start3A_27 = tpu.memref_slice %arg8[%mul3A_2, %dma_start3A_26] : memref<16384x64xf32, #tpu.memory_space<hbm>> -> memref<512x64xf32, #tpu.memory_space<hbm>>
      tpu.enqueue_dma source(%arg12 : memref<512x64xf32, #tpu.memory_space<vmem>>) target(%dma_start3A_27 : memref<512x64xf32, #tpu.memory_space<hbm>>) target_semaphore(%run_scoped3A : memref<!tpu.dma_semaphore, #tpu.memory_space<semaphore_mem>>)
      %dma_wait3A_28 = arith.constant 0 : i32
      %dma_wait3A_29 = tpu.memref_slice %arg8[%mul3A_2, %dma_wait3A_28] : memref<16384x64xf32, #tpu.memory_space<hbm>> -> memref<512x64xf32, #tpu.memory_space<hbm>>
      %dma_wait3A_30 = arith.constant 0 : i32
      %dma_wait3A_31 = tpu.memref_slice %arg8[%mul3A_2, %dma_wait3A_30] : memref<16384x64xf32, #tpu.memory_space<hbm>> -> memref<512x64xf32, #tpu.memory_space<hbm>>
      tpu.wait_dma2 semaphore(%run_scoped3A : memref<!tpu.dma_semaphore, #tpu.memory_space<semaphore_mem>>) src(%arg12 : memref<512x64xf32, #tpu.memory_space<vmem>>) dst(%dma_wait3A_31 : memref<512x64xf32, #tpu.memory_space<hbm>>)
      tpu.yield
    }) : () -> ()
    return
  }
}

</mosaic_0001>

<sc_bundles>
// kernel: kernel.3.cloned.1.call-start
scs
__scs_entry_jumppad:
0x0: {  	(pc) =	sbr.rel $0x88, $3  }
0x1: {  	(tag) =	ssettag $0x0;
	lr =	simm.s32 $0x1  }
0x2: {  	[smem:$0x3F9B] =	sst lr;
	_ =	strace $0xD0000000  }
0x3: {  	_ = 	snop  }
0x4: {  	_ = 	snop  }
0x5: {  	_ = 	snop  }
0x6: {  	_ = 	snop  }
0x7: {  	_ = 	snop  }
__scs_overlays_trampoline_lowered:
0x8: {  	[smem:$0x3FAA] =	sst s0  }
0x9: {  	[smem:$0x3FAB] =	sst s1  }
0xa: {  	[smem:$0x3FAC] =	sst s2  }
0xb: {  	[smem:$0x3FAD] =	sst s3  }
0xc: {  	[smem:$0x3FAE] =	sst s4  }
0xd: {  	[smem:$0x3FAF] =	sst s5  }
0xe: {  	[smem:$0x3FB0] =	sst s6  }
0xf: {  	[smem:$0x3FB1] =	sst s7  }
0x10: {  	[smem:$0x3FB2] =	sst s8  }
0x11: {  	[smem:$0x3FB3] =	sst s9;
	s0 =	simm.s32 @!p0 $0x0  }
0x12: {  	s1 =	sld [smem:$0x3F99];
	s0 =	simm.s32 @p0 $0x1  }
0x13: {  	[smem:$0x3FB4] =	sst s0;
	s0 =	simm.s32 @!p1 $0x0  }
0x14: {  	s2 =	sld [smem:$0x3F98];
	s0 =	simm.s32 @p1 $0x1  }
0x15: {  	[smem:$0x3FB5] =	sst s0;
	s0 =	simm.s32 @!p2 $0x0  }
0x16: {  	s3 =	sld [smem:$0x3FDB];
	s0 =	simm.s32 @p2 $0x1  }
0x17: {  	s4 =	simm.s32 $0x1BF5;
	[smem:$0x3FB7] =	sst s0  }
0x18: {  	s0 =	sld [smem:$0x3F9A];
	_ =	swait.ge [sflag:s4], $0x0  }
0x19: {  	s7 =	sld [smem:$0x3F9B]  }
0x1a: {  	s8 =	sadd.s32 $0xFFFFE003, lr  }
0x1b: {  	s9 =	sadd.s32 $0xFFFFFEF7, lr;
	s5 =	simm.s32 $0xFFFFFFFF;
	p2 =	slt.u32 s8, $0xFFFFF086  }
0x1c: {  	p1 =	slt.u32 s9, $0xF7A;
	s5 =	simm.s32 @!p2 $0x0  }
0x1d: {  	s5 =	simm.s32 @p1 $0x1;
	p0 =	seq.s32 s7, s2  }
0x1e: {  	s7 =	smul.u32 @!p0 $0xF7A, s2;
	p2 =	seq.s32 @!p0 s5, $0x0  }
0x1f: {  	s9 =	smul.u32 $0xF7A, s1;
	s8 =	simm.s32 @!p0 $0x1BF5;
	p2 =	por !p2, p0  }
0x20: {  	[sflag:s8] =	ssyncset.s32 @!p0 $0xFFFFF086;
	s6 =	sadd.s32 @!p0 s3, s7;
	s7 =	simm.s32 @!p0 $0x108  }
0x21: {  	s3 =	sadd.s32 s3, s9;
	s6 =	sadd.s32 @!p0 $0x88, s6;
	s7 =	simm.s32 @p2 $0x1082  }
0x22: {  	[simem:s7], [sflag:s8] =	dma.local @!p0 [hbm:s6], $0xF7A  }
0x23: {  	s9 =	sor.u32 $0xD0000000, s2;
	s6 =	simm.s32 $0x108;
	_ =	swait.ge @!p0 [sflag:s8], $0x0  }
0x24: {  	s3 =	sadd.s32 $0x88, s3;
	s6 =	simm.s32 @!p1 $0x1082;
	[sflag:s4] =	ssyncset.s32 $0xFFFFF086  }
0x25: {  	[simem:s6], [sflag:s4] =	dma.local [hbm:s3], $0xF7A  }
0x26: {  	[smem:$0x3F9B] =	sst s1;
	(tag) =	ssettag s2;
	_ =	strace s9  }
0x27: {  	s1 =	sld [smem:$0x3FAB]  }
0x28: {  	s2 =	sld [smem:$0x3FAC]  }
0x29: {  	s4 =	sld [smem:$0x3FAE]  }
0x2a: {  	p0 =	seq.s32 s5, $0x0;
	s5 =	sld [smem:$0x3FAF]  }
0x2b: {  	s6 =	sld [smem:$0x3FB0]  }
0x2c: {  	s7 =	sld [smem:$0x3FB1]  }
0x2d: {  	s3 =	simm.s32 $0x108;
	s8 =	sld [smem:$0x3FB2]  }
0x2e: {  	s3 =	simm.s32 @!p0 $0x1082;
	s9 =	sld [smem:$0x3FB3]  }
0x2f: {  	lr =	sadd.s32 s0, s3;
	s0 =	sld [smem:$0x3FAA]  }
0x30: {  	s3 =	sld [smem:$0x3FAD]  }
0x31: {  	[smem:$0x3FB6] =	sst s10  }
0x32: {  	s10 =	sld [smem:$0x3FB4];
	_ =	sdelay $0x3  }
0x33: {  	p0 =	seq.s32 s10, $0x1;
	s10 =	sld [smem:$0x3FB6];
	_ =	sdelay $0x3  }
0x34: {  	[smem:$0x3FB6] =	sst s10  }
0x35: {  	s10 =	sld [smem:$0x3FB5];
	_ =	sdelay $0x3  }
0x36: {  	p1 =	seq.s32 s10, $0x1;
	s10 =	sld [smem:$0x3FB6];
	_ =	sdelay $0x3  }
0x37: {  	[smem:$0x3FB6] =	sst s10  }
0x38: {  	s10 =	sld [smem:$0x3FB7]  }
0x39: {  	_ = 	snop;
	(pc) =	sbr.ind lr, $3  }
0x3a: {  	_ = 	snop  }
0x3b: {  	_ = 	snop  }
0x3c: {  	p2 =	seq.s32 s10, $0x1;
	s10 =	sld [smem:$0x3FB6]  }
0x3d: {  	_ =	shalt  }
0x3e: {  	_ =	shalt  }
0x3f: {  	_ =	shalt  }
0x40: {  	_ =	shalt  }
0x41: {  	_ =	shalt  }
0x42: {  	_ =	shalt  }
0x43: {  	_ =	shalt  }
0x44: {  	_ =	shalt  }
0x45: {  	_ =	shalt  }
0x46: {  	_ =	shalt  }
0x47: {  	_ =	shalt  }
0x48: {  	_ =	shalt  }
0x49: {  	_ =	shalt  }
0x4a: {  	_ =	shalt  }
0x4b: {  	_ =	shalt  }
0x4c: {  	_ =	shalt  }
0x4d: {  	_ =	shalt  }
0x4e: {  	_ =	shalt  }
0x4f: {  	_ =	shalt  }
0x50: {  	_ =	shalt  }
0x51: {  	_ =	shalt  }
0x52: {  	_ =	shalt  }
0x53: {  	_ =	shalt  }
0x54: {  	_ =	shalt  }
0x55: {  	_ =	shalt  }
0x56: {  	_ =	shalt  }
0x57: {  	_ =	shalt  }
0x58: {  	_ =	shalt  }
0x59: {  	_ =	shalt  }
0x5a: {  	_ =	shalt  }
0x5b: {  	_ =	shalt  }
0x5c: {  	_ =	shalt  }
0x5d: {  	_ =	shalt  }
0x5e: {  	_ =	shalt  }
0x5f: {  	_ =	shalt  }
0x60: {  	_ =	shalt  }
0x61: {  	_ =	shalt  }
0x62: {  	_ =	shalt  }
0x63: {  	_ =	shalt  }
0x64: {  	_ =	shalt  }
0x65: {  	_ =	shalt  }
0x66: {  	_ =	shalt  }
0x67: {  	_ =	shalt  }
0x68: {  	_ =	shalt  }
0x69: {  	_ =	shalt  }
0x6a: {  	_ =	shalt  }
0x6b: {  	_ =	shalt  }
0x6c: {  	_ =	shalt  }
0x6d: {  	_ =	shalt  }
0x6e: {  	_ =	shalt  }
0x6f: {  	_ =	shalt  }
0x70: {  	_ =	shalt  }
0x71: {  	_ =	shalt  }
0x72: {  	_ =	shalt  }
0x73: {  	_ =	shalt  }
0x74: {  	_ =	shalt  }
0x75: {  	_ =	shalt  }
0x76: {  	_ =	shalt  }
0x77: {  	_ =	shalt  }
0x78: {  	_ =	shalt  }
0x79: {  	_ =	shalt  }
0x7a: {  	_ =	shalt  }
0x7b: {  	_ =	shalt  }
0x7c: {  	_ =	shalt  }
0x7d: {  	_ =	shalt  }
0x7e: {  	_ =	shalt  }
0x7f: {  	_ =	shalt  }
0x80: {  	_ =	shalt  }
0x81: {  	_ =	shalt  }
0x82: {  	_ =	shalt  }
0x83: {  	_ =	shalt  }
0x84: {  	_ =	shalt  }
0x85: {  	_ =	shalt  }
0x86: {  	_ =	shalt  }
0x87: {  	_ =	shalt  }
.Lfunc_end0:
.L_simem_size_0:
called_computation_lowered:
.L_overlay_start_0:
0x88: {  	s2 =	sld [smem:$0x3FD9]  }
0x89: {  	s3 =	sld [smem:$0x3FFE];
	_ =	sdelay $0x1  }
0x8a: {  	s1 =	srdreg.scid  }
0x8b: {  	s0 =	sand.u32 $0x1, s1  }
0x8c: {  	s17 =	sshll.u32 s0, $0xA;
	s2 =	sadd.s32 s3, s2  }
0x8d: {  	s2 =	sadd.s32 s2, s17  }
0x8e: {  	[smem:$0x3FC2] =	sst s2  }
0x8f: {  	_ = 	snop  }
0x90: {  	s2 =	sld [smem:$0x3FC9]  }
0x91: {  	s18 =	sld [smem:$0x3FC8]  }
0x92: {  	s4 =	sld [smem:$0x3FC7]  }
0x93: {  	s5 =	sld [smem:$0x3FD0];
	(tm) =	ssettm $0x1  }
0x94: {  	s6 =	sld [smem:$0x3FFB];
	_ =	sdelay $0x3  }
0x95: {  	_ =	strace s6  }
0x96: {  	s6 =	sld [smem:$0x3FFC];
	_ =	sdelay $0x3  }
0x97: {  	_ =	strace s6  }
0x98: {  	s6 =	sld [smem:$0x3FFD];
	_ =	sdelay $0x3  }
0x99: {  	_ =	strace s6  }
0x9a: {  	_ =	strace $0x8FFFFFFF  }
0x9b: {  	s19 =	sld [smem:$0x3FDB];
	_ =	sdelay $0x1  }
0x9c: {  	s7 =	simm.s32 $_scs_section_size  }
0x9d: {  	s8 =	simm.s32 $_size__tile_overlayer_lowered;
	s9 =	simm.s32 $_tile_overlayer_lowered  }
0x9e: {  	s22 =	simm.s32 $0x1BFF;
	s21 =	sshll.u32 s9, $0x1;
	s6 =	sadd.s32 s7, s19  }
0x9f: {  	s10 =	simm.s32 $0x0;
	s20 =	sshll.u32 s8, $0x1;
	s8 =	sadd.s32 s21, s6  }
0xa0: {  	[timem:s10], [sflag:s22] =	dma.local [hbm:s8], s20  }
0xa1: {  	_ =	swait.ge [sflag:s22], s20  }
0xa2: {  	s7 =	ssub.s32 $0x0, s20;
	[sflag:s22] =	ssyncset.done $0x0  }
0xa3: {  	[sflag:s22] =	ssyncadd.s32 s7;
	_ =	sdelay $0x1  }
0xa4: {  	s23 =	simm.s32 $0x1B8B  }
0xa5: {  	_ =	swait.ge [sflag:s23], $0x1  }
0xa6: {  	[sflag:s23] =	ssyncset.done $0x0  }
0xa7: {  	s25 =	simm.s32 $0x1B8E;
	s24 =	sld [smem:$0x3FFE];
	[sflag:s23] =	ssyncadd.s32 $0xFFFFFFFF  }
0xa8: {  	s26 =	simm.s32 $execute0_lowered;
	[smem:$0x3FD2] =	sst s25  }
0xa9: {  	s8 =	sshll.u32 s26, $0x1;
	_ =	strace $0x80000046;
	[dreg:$0x1] =	wrdreg $0xFFFFFFFF  }
0xaa: {  	s28 =	simm.s32 $_size_execute0_lowered;
	s6 =	sadd.s32 s6, s8;
	[dreg:$0x0] =	wrdreg $0x0  }
0xab: {  	s8 =	sshll.u32 s28, $0x1;
	[dreg:$0x2] =	wrdreg s6  }
0xac: {  	[dreg:$0x3] =	wrdreg s8  }
0xad: {  	[dreg:$0x4] =	wrdreg $0xC0  }
0xae: {  	_ =	task [dreg:s10], $0x5FFFF  }
0xaf: {  	[dreg:$0x1] =	wrdreg $0xFFFFFFFF  }
0xb0: {  	[dreg:$0x0] =	wrdreg $0x60  }
0xb1: {  	[dreg:$0x2] =	wrdreg s24  }
0xb2: {  	[dreg:$0x3] =	wrdreg s2  }
0xb3: {  	[dreg:$0x4] =	wrdreg s18  }
0xb4: {  	[dreg:$0x5] =	wrdreg s4  }
0xb5: {  	[dreg:$0x6] =	wrdreg s5  }
0xb6: {  	[dreg:$0x7] =	wrdreg $0x9  }
0xb7: {  	_ =	task.clear_ibuf [dreg:s10], $0x8FFFF;
	_ =	strace $0x90000046  }
0xb8: {  	s29 =	simm.s32 $0x9;
	_ =	strace $0x80000048  }
0xb9: {  	_ =	swait.ge [sflag:s29], $0x1  }
0xba: {  	[sflag:s29] =	ssyncadd.s32 $0xFFFFFFFF  }
0xbb: {  	_ =	strace $0x90000048  }
0xbc: {  	_ =	sfence  }
0xbd: {  	s30 =	sld [smem:$0x0];
	_ =	sdelay $0x2  }
0xbe: {  	s31 =	sshll.u32 s1, $0xD;
	s1 =	sshrl.u32 s1, $0x2  }
0xbf: {  	s3 =	sand.u32 $0x4000, s31;
	s1 =	sadd.s32 s1, s30  }
0xc0: {  	s0 =	sor.u32 s3, s0;
	s1 =	sshll.u32 s1, $0x11  }
0xc1: {  	s0 =	sor.u32 s1, s0  }
0xc2: {  	s0 =	sadd.s32 $0x8F2B, s0  }
0xc3: {  	[sflag:s0] =	ssyncadd.remote.s32 $0x1  }
0xc4: {  	_ =	sfence.sel $0xFFFF  }
0xc5: {  	[dreg:$0x0] =	wrdreg $0xFFFFFFFF;
	(pc) =	sbr.abs _section_cstart, $3  }
0xc6: {  	[dreg:$0x1] =	wrdreg $0xFFFFFFFF  }
0xc7: {  	_ =	task.clear_ibuf [dreg:s10], $0x2FFFF;
	_ =	strace $0x9FFFFFFF  }
0xc8: {  	(tm) =	ssettm $0x7FFFFFFF  }
0xc9: {  	_ =	shalt  }
tec
execute0_lowered:
.L_overlay_start_1:
0x0: {  	(tag) =	ssettag $0x1  }
0x1: {  	s5 =	rddreg [dreg:$0x0]  }
0x2: {  	s6 =	rddreg [dreg:$0x1]  }
0x3: {  	s7 =	rddreg [dreg:$0x2]  }
0x4: {  	s8 =	rddreg [dreg:$0x3]  }
0x5: {  	s9 =	rddreg [dreg:$0x4]  }
0x6: {  	s0 =	rddreg [dreg:$0x5];
	s2 =	simm.s32 $0x0;
	s3 =	srdreg.scid  }
0x7: {  	s1 =	stileid.u32;
	s14 =	simm.s32 $0x600;
	s15 =	simm.s32 $0x8600  }
0x8: {  	s16 =	simm.s32 $0x10600;
	s17 =	simm.s32 $0x1;
	s18 =	simm.s32 $0x2  }
0x9: {  	s19 =	simm.s32 $0x3;
	s20 =	simm.s32 $0x0;
	[smem:$0x7FF] =	sst s2  }
0xa: {  	s4 =	sand.u32 $0x1, s3;
	s10 =	sshll.u32 s1, $0xA;
	s3 =	sadd.s32 $0xF42C00, s5  }
0xb: {  	_ =	strace $0x80000047;
	s11 =	sshll.u32 s4, $0x9;
	s12 =	ssub.s32 $0x2, s4  }
0xc: {  	s4 =	sadd.s32 $0x24A800, s5;
	s10 =	sor.u32 s11, s10;
	s31 =	sshrl.u32 s12, $0x1  }
0xd: {  	s5 =	sadd.s32 $0x187200, s5;
	s13 =	sshrl.u32 s10, $0x3;
	s11 =	ssub.s32 s12, s31  }
0xe: {  	s10 =	sshll.u32 s10, $0x3;
	s12 =	simm.s32 $0x200;
	s6 =	sadd.s32 s6, s13  }
0xf: {  	s7 =	sadd.s32 s7, s13;
	s8 =	sadd.s32 s8, s13;
	s9 =	sadd.s32 s9, s10  }
0x10: {  	s10 =	smax.u32 s11, $0x1;
	s11 =	simm.s32 $0x4;
	s13 =	simm.s32 $0x400  }
.LBB2_1:
0x11: {  	[tilespmem:s2], [sflag:$0x4] =	stream.linear.gather [hbm4b:s6+s2], $0x200, $0x38;
	[tilespmem:$0x18600] =	vst v63  }
0x12: {  	_ =	swait.ge [sflag:s11], $0x200  }
0x13: {  	[sflag:s11] =	ssyncset.done $0x0  }
0x14: {  	[sflag:s11] =	ssyncadd.s32 $0xFFFFFE00  }
0x15: {  	[tilespmem:s12], [sflag:$0x4] =	stream.linear.gather [hbm4b:s7+s2], $0x200, $0x38;
	[tilespmem:$0x18600] =	vst v63  }
0x16: {  	_ =	swait.ge [sflag:s11], $0x200  }
0x17: {  	[sflag:s11] =	ssyncset.done $0x0  }
0x18: {  	[sflag:s11] =	ssyncadd.s32 $0xFFFFFE00  }
0x19: {  	[tilespmem:s13], [sflag:$0x4] =	stream.linear.gather [hbm4b:s8+s2], $0x200, $0x38;
	[tilespmem:$0x18600] =	vst v63  }
0x1a: {  	_ =	swait.ge [sflag:s11], $0x200  }
0x1b: {  	[sflag:s11] =	ssyncset.done $0x0  }
0x1c: {  	[sflag:s11] =	ssyncadd.s32 $0xFFFFFE00  }
0x1d: {  	[tilespmem:s14], [sflag:$0x1] =	stream.indirect.gather [hbm4b:s3+s12], $0x40, s2, s12, $0xb8;
	[tilespmem:$0x18600] =	vst v63  }
0x1e: {  	_ = 	snop  }
0x1f: {  	[tilespmem:s15], [sflag:$0x2] =	stream.indirect.gather [hbm4b:s4+s12], $0x40, s12, s12, $0xb8;
	[tilespmem:$0x18600] =	vst v63  }
0x20: {  	_ = 	snop  }
0x21: {  	[tilespmem:s16], [sflag:$0x3] =	stream.indirect.gather [hbm4b:s5+s12], $0x40, s13, s12, $0xb8;
	[tilespmem:$0x18600] =	vst v63  }
0x22: {  	_ =	swait.ge [sflag:s17], $0x8000  }
0x23: {  	[sflag:s17] =	ssyncset.done $0x0  }
0x24: {  	[sflag:s17] =	ssyncadd.s32 $0xFFFF8000  }
0x25: {  	_ =	swait.ge [sflag:s18], $0x8000  }
0x26: {  	[sflag:s18] =	ssyncset.done $0x0  }
0x27: {  	[sflag:s18] =	ssyncadd.s32 $0xFFFF8000  }
0x28: {  	_ =	swait.ge [sflag:s19], $0x8000  }
0x29: {  	[sflag:s19] =	ssyncset.done $0x0  }
0x2a: {  	s23 =	simm.s32 $0x680;
	[sflag:s19] =	ssyncadd.s32 $0xFFFF8000  }
0x2b: {  	s21 =	simm.s32 $0x8680;
	v0 =	vld [tilespmem:s23+$0xFFFFFF80]  }
0x2c: {  	v1 =	vld [tilespmem:s21+$0xFFFFFF80]  }
0x2d: {  	s22 =	simm.s32 $0x10680  }
0x2e: {  	v2 =	vld [tilespmem:s22+$0xFFFFFF80];
	_ =	sdelay $0x2  }
0x2f: {  	v0 =	vadd.f32 v1, v0;
	_ =	sdelay $0x1  }
0x30: {  	v0 =	vmul.f32 v2, v0;
	_ =	sdelay $0x1  }
0x31: {  	[tilespmem:s23+$0xFFFFFF80] =	vst v0;
	v0 =	vld [tilespmem:s23+$0xFFFFFF90]  }
0x32: {  	v1 =	vld [tilespmem:s21+$0xFFFFFF90];
	_ =	sdelay $0x1  }
0x33: {  	v2 =	vld [tilespmem:s22+$0xFFFFFF90];
	_ =	sdelay $0x2  }
0x34: {  	v0 =	vadd.f32 v1, v0;
	_ =	sdelay $0x1  }
0x35: {  	v0 =	vmul.f32 v2, v0;
	_ =	sdelay $0x1  }
0x36: {  	[tilespmem:s23+$0xFFFFFF90] =	vst v0;
	v0 =	vld [tilespmem:s23+$0xFFFFFFA0]  }
0x37: {  	v1 =	vld [tilespmem:s21+$0xFFFFFFA0];
	_ =	sdelay $0x1  }
0x38: {  	v2 =	vld [tilespmem:s22+$0xFFFFFFA0];
	_ =	sdelay $0x2  }
0x39: {  	v0 =	vadd.f32 v1, v0;
	_ =	sdelay $0x1  }
0x3a: {  	v0 =	vmul.f32 v2, v0;
	_ =	sdelay $0x1  }
0x3b: {  	[tilespmem:s23+$0xFFFFFFA0] =	vst v0;
	v0 =	vld [tilespmem:s23+$0xFFFFFFB0]  }
0x3c: {  	v1 =	vld [tilespmem:s21+$0xFFFFFFB0];
	_ =	sdelay $0x1  }
0x3d: {  	v2 =	vld [tilespmem:s22+$0xFFFFFFB0];
	_ =	sdelay $0x2  }
0x3e: {  	v0 =	vadd.f32 v1, v0;
	_ =	sdelay $0x1  }
0x3f: {  	v0 =	vmul.f32 v2, v0;
	_ =	sdelay $0x1  }
0x40: {  	[tilespmem:s23+$0xFFFFFFB0] =	vst v0;
	v0 =	vld [tilespmem:s23+$0xFFFFFFC0]  }
0x41: {  	v1 =	vld [tilespmem:s21+$0xFFFFFFC0];
	_ =	sdelay $0x1  }
0x42: {  	v2 =	vld [tilespmem:s22+$0xFFFFFFC0];
	_ =	sdelay $0x2  }
0x43: {  	v0 =	vadd.f32 v1, v0;
	_ =	sdelay $0x1  }
0x44: {  	v0 =	vmul.f32 v2, v0;
	_ =	sdelay $0x1  }
0x45: {  	[tilespmem:s23+$0xFFFFFFC0] =	vst v0;
	v0 =	vld [tilespmem:s23+$0xFFFFFFD0]  }
0x46: {  	v1 =	vld [tilespmem:s21+$0xFFFFFFD0];
	_ =	sdelay $0x1  }
0x47: {  	v2 =	vld [tilespmem:s22+$0xFFFFFFD0];
	_ =	sdelay $0x2  }
0x48: {  	v0 =	vadd.f32 v1, v0;
	_ =	sdelay $0x1  }
0x49: {  	v0 =	vmul.f32 v2, v0;
	_ =	sdelay $0x1  }
0x4a: {  	[tilespmem:s23+$0xFFFFFFD0] =	vst v0;
	v0 =	vld [tilespmem:s23+$0xFFFFFFE0]  }
0x4b: {  	v1 =	vld [tilespmem:s21+$0xFFFFFFE0];
	_ =	sdelay $0x1  }
0x4c: {  	v2 =	vld [tilespmem:s22+$0xFFFFFFE0];
	_ =	sdelay $0x2  }
0x4d: {  	v0 =	vadd.f32 v1, v0;
	_ =	sdelay $0x1  }
0x4e: {  	v0 =	vmul.f32 v2, v0;
	_ =	sdelay $0x1  }
0x4f: {  	[tilespmem:s23+$0xFFFFFFE0] =	vst v0;
	v0 =	vld [tilespmem:s23+$0xFFFFFFF0]  }
0x50: {  	v1 =	vld [tilespmem:s21+$0xFFFFFFF0];
	_ =	sdelay $0x1  }
0x51: {  	v2 =	vld [tilespmem:s22+$0xFFFFFFF0];
	_ =	sdelay $0x2  }
0x52: {  	v0 =	vadd.f32 v1, v0;
	_ =	sdelay $0x1  }
0x53: {  	v0 =	vmul.f32 v2, v0;
	_ =	sdelay $0x1  }
0x54: {  	[tilespmem:s23+$0xFFFFFFF0] =	vst v0;
	v0 =	vld [tilespmem:s23+$0x0]  }
0x55: {  	v1 =	vld [tilespmem:s21+$0x0];
	_ =	sdelay $0x1  }
0x56: {  	v2 =	vld [tilespmem:s22+$0x0];
	_ =	sdelay $0x2  }
0x57: {  	v0 =	vadd.f32 v1, v0;
	_ =	sdelay $0x1  }
0x58: {  	v0 =	vmul.f32 v2, v0;
	_ =	sdelay $0x1  }
0x59: {  	[tilespmem:s23+$0x0] =	vst v0;
	v0 =	vld [tilespmem:s23+$0x10]  }
0x5a: {  	v1 =	vld [tilespmem:s21+$0x10];
	_ =	sdelay $0x1  }
0x5b: {  	v2 =	vld [tilespmem:s22+$0x10];
	_ =	sdelay $0x2  }
0x5c: {  	v0 =	vadd.f32 v1, v0;
	_ =	sdelay $0x1  }
0x5d: {  	v0 =	vmul.f32 v2, v0;
	_ =	sdelay $0x1  }
0x5e: {  	[tilespmem:s23+$0x10] =	vst v0;
	v0 =	vld [tilespmem:s23+$0x20]  }
0x5f: {  	v1 =	vld [tilespmem:s21+$0x20];
	_ =	sdelay $0x1  }
0x60: {  	v2 =	vld [tilespmem:s22+$0x20];
	_ =	sdelay $0x2  }
0x61: {  	v0 =	vadd.f32 v1, v0;
	_ =	sdelay $0x1  }
0x62: {  	v0 =	vmul.f32 v2, v0;
	_ =	sdelay $0x1  }
0x63: {  	[tilespmem:s23+$0x20] =	vst v0;
	v0 =	vld [tilespmem:s23+$0x30]  }
0x64: {  	v1 =	vld [tilespmem:s21+$0x30];
	_ =	sdelay $0x1  }
0x65: {  	v2 =	vld [tilespmem:s22+$0x30];
	_ =	sdelay $0x2  }
0x66: {  	v0 =	vadd.f32 v1, v0;
	_ =	sdelay $0x1  }
0x67: {  	v0 =	vmul.f32 v2, v0;
	_ =	sdelay $0x1  }
0x68: {  	[tilespmem:s23+$0x30] =	vst v0;
	v0 =	vld [tilespmem:s23+$0x40]  }
0x69: {  	v1 =	vld [tilespmem:s21+$0x40];
	_ =	sdelay $0x1  }
0x6a: {  	v2 =	vld [tilespmem:s22+$0x40];
	_ =	sdelay $0x2  }
0x6b: {  	v0 =	vadd.f32 v1, v0;
	_ =	sdelay $0x1  }
0x6c: {  	v0 =	vmul.f32 v2, v0;
	_ =	sdelay $0x1  }
0x6d: {  	[tilespmem:s23+$0x40] =	vst v0;
	v0 =	vld [tilespmem:s23+$0x50]  }
0x6e: {  	v1 =	vld [tilespmem:s21+$0x50];
	_ =	sdelay $0x1  }
0x6f: {  	v2 =	vld [tilespmem:s22+$0x50];
	_ =	sdelay $0x2  }
0x70: {  	v0 =	vadd.f32 v1, v0;
	_ =	sdelay $0x1  }
0x71: {  	v0 =	vmul.f32 v2, v0;
	_ =	sdelay $0x1  }
0x72: {  	[tilespmem:s23+$0x50] =	vst v0;
	v0 =	vld [tilespmem:s23+$0x60]  }
0x73: {  	v1 =	vld [tilespmem:s21+$0x60];
	_ =	sdelay $0x1  }
0x74: {  	v2 =	vld [tilespmem:s22+$0x60];
	_ =	sdelay $0x2  }
0x75: {  	v0 =	vadd.f32 v1, v0;
	_ =	sdelay $0x1  }
0x76: {  	v0 =	vmul.f32 v2, v0;
	_ =	sdelay $0x1  }
0x77: {  	[tilespmem:s23+$0x60] =	vst v0;
	v0 =	vld [tilespmem:s23+$0x70]  }
0x78: {  	v1 =	vld [tilespmem:s21+$0x70];
	_ =	sdelay $0x1  }
0x79: {  	v2 =	vld [tilespmem:s22+$0x70];
	_ =	sdelay $0x2  }
0x7a: {  	v0 =	vadd.f32 v1, v0;
	_ =	sdelay $0x1  }
0x7b: {  	v0 =	vmul.f32 v2, v0  }
0x7c: {  	s24 =	simm.s32 $0x0;
	s25 =	simm.s32 $0x780  }
.LBB2_2:
0x7d: {  	v1 =	vld [tilespmem:s25+$0xFFFFFF80];
	s24 =	sadd.s32 $0x4, s24;
	[tilespmem:s23+$0x70] =	vst v0;
	s21 =	sadd.s32 $0x100, s21;
	s22 =	sadd.s32 $0x100, s22  }
0x7e: {  	s23 =	smov.u32 s25;
	v0 =	vld [tilespmem:s21+$0xFFFFFF80];
	p0 =	slt.u32 s24, $0x1FC;
	_ =	sdelay $0x1  }
0x7f: {  	v2 =	vld [tilespmem:s22+$0xFFFFFF80];
	_ =	sdelay $0x2  }
0x80: {  	v0 =	vadd.f32 v0, v1;
	_ =	sdelay $0x1  }
0x81: {  	v0 =	vmul.f32 v2, v0;
	_ =	sdelay $0x1  }
0x82: {  	[tilespmem:s25+$0xFFFFFF80] =	vst v0;
	v0 =	vld [tilespmem:s25+$0xFFFFFF90]  }
0x83: {  	v1 =	vld [tilespmem:s21+$0xFFFFFF90];
	_ =	sdelay $0x1  }
0x84: {  	v2 =	vld [tilespmem:s22+$0xFFFFFF90];
	_ =	sdelay $0x2  }
0x85: {  	v0 =	vadd.f32 v1, v0;
	_ =	sdelay $0x1  }
0x86: {  	v0 =	vmul.f32 v2, v0;
	_ =	sdelay $0x1  }
0x87: {  	[tilespmem:s25+$0xFFFFFF90] =	vst v0;
	v0 =	vld [tilespmem:s25+$0xFFFFFFA0]  }
0x88: {  	v1 =	vld [tilespmem:s21+$0xFFFFFFA0];
	_ =	sdelay $0x1  }
0x89: {  	v2 =	vld [tilespmem:s22+$0xFFFFFFA0];
	_ =	sdelay $0x2  }
0x8a: {  	v0 =	vadd.f32 v1, v0;
	_ =	sdelay $0x1  }
0x8b: {  	v0 =	vmul.f32 v2, v0;
	_ =	sdelay $0x1  }
0x8c: {  	[tilespmem:s25+$0xFFFFFFA0] =	vst v0;
	v0 =	vld [tilespmem:s25+$0xFFFFFFB0]  }
0x8d: {  	v1 =	vld [tilespmem:s21+$0xFFFFFFB0];
	_ =	sdelay $0x1  }
0x8e: {  	v2 =	vld [tilespmem:s22+$0xFFFFFFB0];
	_ =	sdelay $0x2  }
0x8f: {  	v0 =	vadd.f32 v1, v0;
	_ =	sdelay $0x1  }
0x90: {  	v0 =	vmul.f32 v2, v0;
	_ =	sdelay $0x1  }
0x91: {  	[tilespmem:s25+$0xFFFFFFB0] =	vst v0;
	v0 =	vld [tilespmem:s25+$0xFFFFFFC0]  }
0x92: {  	v1 =	vld [tilespmem:s21+$0xFFFFFFC0];
	_ =	sdelay $0x1  }
0x93: {  	v2 =	vld [tilespmem:s22+$0xFFFFFFC0];
	_ =	sdelay $0x2  }
0x94: {  	v0 =	vadd.f32 v1, v0;
	_ =	sdelay $0x1  }
0x95: {  	v0 =	vmul.f32 v2, v0;
	_ =	sdelay $0x1  }
0x96: {  	[tilespmem:s25+$0xFFFFFFC0] =	vst v0;
	v0 =	vld [tilespmem:s25+$0xFFFFFFD0]  }
0x97: {  	v1 =	vld [tilespmem:s21+$0xFFFFFFD0];
	_ =	sdelay $0x1  }
0x98: {  	v2 =	vld [tilespmem:s22+$0xFFFFFFD0];
	_ =	sdelay $0x2  }
0x99: {  	v0 =	vadd.f32 v1, v0;
	_ =	sdelay $0x1  }
0x9a: {  	v0 =	vmul.f32 v2, v0;
	_ =	sdelay $0x1  }
0x9b: {  	[tilespmem:s25+$0xFFFFFFD0] =	vst v0;
	v0 =	vld [tilespmem:s25+$0xFFFFFFE0]  }
0x9c: {  	v1 =	vld [tilespmem:s21+$0xFFFFFFE0];
	_ =	sdelay $0x1  }
0x9d: {  	v2 =	vld [tilespmem:s22+$0xFFFFFFE0];
	_ =	sdelay $0x2  }
0x9e: {  	v0 =	vadd.f32 v1, v0;
	_ =	sdelay $0x1  }
0x9f: {  	v0 =	vmul.f32 v2, v0;
	_ =	sdelay $0x1  }
0xa0: {  	[tilespmem:s25+$0xFFFFFFE0] =	vst v0;
	v0 =	vld [tilespmem:s25+$0xFFFFFFF0]  }
0xa1: {  	v1 =	vld [tilespmem:s21+$0xFFFFFFF0];
	_ =	sdelay $0x1  }
0xa2: {  	v2 =	vld [tilespmem:s22+$0xFFFFFFF0];
	_ =	sdelay $0x2  }
0xa3: {  	v0 =	vadd.f32 v1, v0;
	_ =	sdelay $0x1  }
0xa4: {  	v0 =	vmul.f32 v2, v0;
	_ =	sdelay $0x1  }
0xa5: {  	[tilespmem:s25+$0xFFFFFFF0] =	vst v0;
	v0 =	vld [tilespmem:s25+$0x0]  }
0xa6: {  	v1 =	vld [tilespmem:s21+$0x0];
	_ =	sdelay $0x1  }
0xa7: {  	v2 =	vld [tilespmem:s22+$0x0];
	_ =	sdelay $0x2  }
0xa8: {  	v0 =	vadd.f32 v1, v0;
	_ =	sdelay $0x1  }
0xa9: {  	v0 =	vmul.f32 v2, v0;
	_ =	sdelay $0x1  }
0xaa: {  	[tilespmem:s25+$0x0] =	vst v0;
	v0 =	vld [tilespmem:s25+$0x10]  }
0xab: {  	v1 =	vld [tilespmem:s21+$0x10]  }
0xac: {  	v2 =	vld [tilespmem:s22+$0x10];
	_ =	sdelay $0x3  }
0xad: {  	v0 =	vadd.f32 v1, v0;
	_ =	sdelay $0x1  }
0xae: {  	v0 =	vmul.f32 v2, v0;
	_ =	sdelay $0x1  }
0xaf: {  	[tilespmem:s25+$0x10] =	vst v0;
	v0 =	vld [tilespmem:s25+$0x20]  }
0xb0: {  	v1 =	vld [tilespmem:s21+$0x20]  }
0xb1: {  	v2 =	vld [tilespmem:s22+$0x20];
	_ =	sdelay $0x3  }
0xb2: {  	v0 =	vadd.f32 v1, v0;
	_ =	sdelay $0x1  }
0xb3: {  	v0 =	vmul.f32 v2, v0;
	_ =	sdelay $0x1  }
0xb4: {  	[tilespmem:s25+$0x20] =	vst v0;
	v0 =	vld [tilespmem:s25+$0x30]  }
0xb5: {  	v1 =	vld [tilespmem:s21+$0x30]  }
0xb6: {  	v2 =	vld [tilespmem:s22+$0x30];
	_ =	sdelay $0x3  }
0xb7: {  	v0 =	vadd.f32 v1, v0;
	_ =	sdelay $0x1  }
0xb8: {  	v0 =	vmul.f32 v2, v0;
	_ =	sdelay $0x1  }
0xb9: {  	[tilespmem:s25+$0x30] =	vst v0;
	v0 =	vld [tilespmem:s25+$0x40]  }
0xba: {  	v1 =	vld [tilespmem:s21+$0x40]  }
0xbb: {  	v2 =	vld [tilespmem:s22+$0x40];
	_ =	sdelay $0x3  }
0xbc: {  	v0 =	vadd.f32 v1, v0;
	_ =	sdelay $0x1  }
0xbd: {  	v0 =	vmul.f32 v2, v0;
	_ =	sdelay $0x1  }
0xbe: {  	[tilespmem:s25+$0x40] =	vst v0;
	v0 =	vld [tilespmem:s25+$0x50]  }
0xbf: {  	v1 =	vld [tilespmem:s21+$0x50]  }
0xc0: {  	v2 =	vld [tilespmem:s22+$0x50];
	_ =	sdelay $0x3  }
0xc1: {  	v0 =	vadd.f32 v1, v0;
	_ =	sdelay $0x1  }
0xc2: {  	v0 =	vmul.f32 v2, v0;
	_ =	sdelay $0x1  }
0xc3: {  	[tilespmem:s25+$0x50] =	vst v0;
	v0 =	vld [tilespmem:s25+$0x60]  }
0xc4: {  	v1 =	vld [tilespmem:s21+$0x60]  }
0xc5: {  	v2 =	vld [tilespmem:s22+$0x60];
	_ =	sdelay $0x3  }
0xc6: {  	v0 =	vadd.f32 v1, v0;
	_ =	sdelay $0x1  }
0xc7: {  	v0 =	vmul.f32 v2, v0;
	_ =	sdelay $0x1  }
0xc8: {  	[tilespmem:s25+$0x60] =	vst v0;
	v0 =	vld [tilespmem:s25+$0x70]  }
0xc9: {  	v1 =	vld [tilespmem:s21+$0x70]  }
0xca: {  	v2 =	vld [tilespmem:s22+$0x70];
	_ =	sdelay $0x2  }
.Ltmp0:
0xcb: {  	(pc) =	sbr.rel @p0 .LBB2_2-.Ltmp0, $3  }
0xcc: {  	v0 =	vadd.f32 v1, v0;
	_ =	sdelay $0x1  }
0xcd: {  	v0 =	vmul.f32 v2, v0  }
0xce: {  	s25 =	sadd.s32 $0x100, s25  }
0xcf: {  	s20 =	sadd.s32 $0x1, s20  }
0xd0: {  	p0 =	sne.s32 s20, s10  }
.Ltmp1:
0xd1: {  	[tilespmem:s23+$0x70] =	vst v0;
	(pc) =	sbr.rel @p0 .LBB2_1-.Ltmp1, $4  }
0xd2: {  	[hbm4b:s9+s2] =	stream.linear.scatter [tilespmem:s14], [sflag:$0x4], $0x8000, $0x38;
	[tilespmem:$0x18600] =	vst v63  }
0xd3: {  	_ =	swait.ge [sflag:s11], $0x8000  }
0xd4: {  	[sflag:s11] =	ssyncset.done $0x0  }
0xd5: {  	[sflag:s11] =	ssyncadd.s32 $0xFFFF8000  }
0xd6: {  	_ =	sfence.sel $0x180000  }
0xd7: {  	[bflag:$0x0] =	sbarrier.arrive $0xFFFF  }
0xd8: {  	p0 =	sne.s32 s1, $0x0;
	_ =	strace $0x90000047  }
0xd9: {  	s0 =	sadd.s32 @!p0 $0x100000, s0;
	[bflag:$0x2] =	sbarrier.arrive $0xFFFF  }
0xda: {  	[sflag:s0] =	ssyncadd.tile.s32 @!p0 $0x1;
	_ =	shalt  }
.Lfunc_end2:
_tile_overlayer_lowered:
.L_overlay_start_2:
0xdb: {  	(tag) =	ssettag $0x2  }
0xdc: {  	s0 =	rddreg [dreg:$0x0];
	s2 =	stileid.u32  }
0xdd: {  	s1 =	rddreg [dreg:$0x1];
	p0 =	sne.s32 s2, $0x0  }
0xde: {  	s3 =	rddreg [dreg:$0x2];
	[bflag:$0x3] =	sbarrier.arrive $0xFFFF;
	s2 =	simm.s32 @!p0 $0x1C04  }
0xdf: {  	[timem:s3], [sflag:s2] =	dma.local @!p0 [hbm:s0], s1  }
0xe0: {  	s0 =	simm.s32 @!p0 $0x4  }
0xe1: {  	_ =	swait.ge @!p0 [sflag:s0], s1  }
0xe2: {  	s1 =	ssub.s32 @!p0 $0x0, s1;
	[sflag:s0] =	ssyncset.done @!p0 $0x0  }
0xe3: {  	[sflag:s0] =	ssyncadd.s32 @!p0 s1  }
0xe4: {  	[bflag:$0x3] =	sbarrier.arrive $0xFFFF  }
0xe5: {  	_ =	shalt  }

</sc_bundles>
